<compile_context>
chip_gen: v7x
topology: tpu7x:2x2x1
jax: 0.10.2.dev20260603
libtpu: 0.0.44.dev20260713+nightly
codegen_flags: <defaults>
</compile_context>

<pallas_src>
import functools

import jax
import jax.numpy as jnp
from jax import lax
from jax.experimental import pallas as pl
from jax.experimental.pallas import tpu as pltpu
from jax.experimental.pallas import tpu_sc as plsc

_NC, _NS = 2, 16
_NW = _NC * _NS


def _sc_gather(table, idx):
    n = idx.shape[0]
    e = table.shape[1]
    b_per_w = n // _NW
    assert n % _NW == 0 and b_per_w % 8 == 0

    mesh = plsc.VectorSubcoreMesh(core_axis_name="c", subcore_axis_name="s")

    @functools.partial(
        pl.kernel,
        mesh=mesh,
        out_type=jax.ShapeDtypeStruct((n, e), jnp.float32),
        scratch_types=[
            pltpu.VMEM((b_per_w,), jnp.int32),
            pltpu.VMEM((b_per_w, e), jnp.float32),
            pltpu.SemaphoreType.DMA,
        ],
    )
    def gather_k(idx_hbm, table_hbm, out_hbm, idx_v, rows_v, sem):
        wid = lax.axis_index("s") * _NC + lax.axis_index("c")
        base = wid * b_per_w
        pltpu.sync_copy(idx_hbm.at[pl.ds(base, b_per_w)], idx_v)
        pltpu.async_copy(table_hbm.at[idx_v], rows_v, sem).wait()
        pltpu.sync_copy(rows_v, out_hbm.at[pl.ds(base, b_per_w)])

    return gather_k(idx, table)


def _lstm_proj_body(feat_ref, emb_ref, wih_ref, whh_ref, bias_ref,
                    wout_ref, bout_ref, out_ref, ht_ref, ct_ref, *, hidden):
    t = pl.program_id(0)

    @pl.when(t == 0)
    def _init():
        ht_ref[...] = jnp.zeros_like(ht_ref)
        ct_ref[...] = jnp.zeros_like(ct_ref)

    xt = jnp.where(t == 0, feat_ref[...], emb_ref[0])
    xt_t = xt.T
    ht = ht_ref[...]
    gates = (jnp.dot(wih_ref[...], xt_t, preferred_element_type=jnp.float32)
             + jnp.dot(whh_ref[...], ht, preferred_element_type=jnp.float32)
             + bias_ref[...])
    gi = jax.nn.sigmoid(gates[0:hidden])
    gf = jax.nn.sigmoid(gates[hidden:2 * hidden])
    gg = jnp.tanh(gates[2 * hidden:3 * hidden])
    go = jax.nn.sigmoid(gates[3 * hidden:4 * hidden])
    ct = gf * ct_ref[...] + gi * gg
    ht = go * jnp.tanh(ct)
    ct_ref[...] = ct
    ht_ref[...] = ht
    out_ref[0] = (jnp.dot(wout_ref[...], ht, preferred_element_type=jnp.float32)
                  + bout_ref[...])


def kernel(features, captions, embed_table, W_ih, W_hh, b_ih, b_hh, W_out, b_out):
    b, seq_len = captions.shape
    e = embed_table.shape[1]
    hidden = W_hh.shape[1]
    vocab = W_out.shape[0]

    idx = captions[:, :seq_len - 1].T.reshape(-1).astype(jnp.int32)
    emb = _sc_gather(embed_table, idx).reshape(seq_len - 1, b, e)

    bias = (b_ih + b_hh).reshape(4 * hidden, 1)
    bout = b_out.reshape(vocab, 1)

    body = functools.partial(_lstm_proj_body, hidden=hidden)
    out_t = pl.pallas_call(
        body,
        grid=(seq_len,),
        in_specs=[
            pl.BlockSpec((b, e), lambda t: (0, 0)),
            pl.BlockSpec((1, b, e), lambda t: (jnp.maximum(t - 1, 0), 0, 0)),
            pl.BlockSpec((4 * hidden, e), lambda t: (0, 0)),
            pl.BlockSpec((4 * hidden, hidden), lambda t: (0, 0)),
            pl.BlockSpec((4 * hidden, 1), lambda t: (0, 0)),
            pl.BlockSpec((vocab, hidden), lambda t: (0, 0)),
            pl.BlockSpec((vocab, 1), lambda t: (0, 0)),
        ],
        out_specs=pl.BlockSpec((1, vocab, b), lambda t: (t, 0, 0)),
        out_shape=jax.ShapeDtypeStruct((seq_len, vocab, b), jnp.float32),
        scratch_shapes=[
            pltpu.VMEM((hidden, b), jnp.float32),
            pltpu.VMEM((hidden, b), jnp.float32),
        ],
    )(features, emb, W_ih, W_hh, bias, W_out, bout)
    return out_t.transpose(2, 0, 1)

# --- scband reference (transcript-rebuilt; emitter-appended) ---
"""Pipeline reference for scband-decoder-rnn-39359080300855 (READ-ONLY COPY).

The authoritative reference and input builder live on the scoring server;
editing this copy changes nothing except your own understanding.
"""

import jax, jax.numpy as jnp
import numpy as np

B, L, E, H, V = 1024, 20, 128, 256, 1000

def setup_inputs(seed: int = 0) -> dict:
    key = jax.random.key(seed)
    ks = jax.random.split(key, 9)
    s = 0.05
    return {
        "features": jax.random.normal(ks[0], (B, E), dtype=jnp.float32),
        "captions": jax.random.randint(ks[1], (B, L), 0, V),
        "embed_table": jax.random.normal(ks[2], (V, E), dtype=jnp.float32) * s,
        "W_ih": jax.random.normal(ks[3], (4 * H, E), dtype=jnp.float32) * s,
        "W_hh": jax.random.normal(ks[4], (4 * H, H), dtype=jnp.float32) * s,
        "b_ih": jax.random.normal(ks[5], (4 * H,), dtype=jnp.float32) * s,
        "b_hh": jax.random.normal(ks[6], (4 * H,), dtype=jnp.float32) * s,
        "W_out": jax.random.normal(ks[7], (V, H), dtype=jnp.float32) * s,
        "b_out": jax.random.normal(ks[8], (V,), dtype=jnp.float32) * s,
    }

def reference(features, captions, embed_table, W_ih, W_hh, b_ih, b_hh, W_out, b_out):
    # embed(captions[:, :-1])  -> gather from embedding table
    emb = jnp.take(embed_table, captions[:, :-1], axis=0)  # [B, L-1, E]
    # cat((features.unsqueeze(1), embeddings), dim=1)
    x = jnp.concatenate([features[:, None, :], emb], axis=1)  # [B, L, E]
    bsz = x.shape[0]
    hid = W_hh.shape[1]

    def step(carry, xt):
        h, c = carry
        gates = xt @ W_ih.T + h @ W_hh.T + b_ih + b_hh
        i, f, g, o = jnp.split(gates, 4, axis=-1)  # PyTorch LSTM gate order: i, f, g, o
        i = jax.nn.sigmoid(i)
        f = jax.nn.sigmoid(f)
        g = jnp.tanh(g)
        o = jax.nn.sigmoid(o)
        c = f * c + i * g
        h = o * jnp.tanh(c)
        return (h, c), h

    h0 = jnp.zeros((bsz, hid), dtype=x.dtype)
    c0 = jnp.zeros((bsz, hid), dtype=x.dtype)
    xs = jnp.swapaxes(x, 0, 1)  # [L, B, E]
    (_, _), hs = jax.lax.scan(step, (h0, c0), xs)
    lstm_out = jnp.swapaxes(hs, 0, 1)  # [B, L, H]
    # dropout(p=0.3) is identity in eval mode
    outputs = lstm_out @ W_out.T + b_out  # [B, L, V]
    return outputs

if __name__ == "__main__":
    import jax
    _d = setup_inputs()
    print(jax.jit(kernel)(*tuple(_d.values())))

</pallas_src>

<mosaic_0001>
#map = affine_map<(d0, d1) -> (0)>
#map1 = affine_map<(d0, d1) -> (0, 0)>
module attributes {stable_mosaic.version = 14 : i64} {
  func.func @gather_k(%arg0: i32, %arg1: i32, %arg2: memref<19456xi32, #tpu.memory_space<hbm>>, %arg3: memref<1000x128xf32, #tpu.memory_space<hbm>>, %arg4: memref<19456x128xf32, #tpu.memory_space<hbm>>, %arg5: memref<608xi32, #tpu.memory_space<vmem>>, %arg6: memref<608x128xf32, #tpu.memory_space<vmem>>, %arg7: memref<!tpu.dma_semaphore, #tpu.memory_space<semaphore_mem>>) attributes {dimension_semantics = [#tpu.dimension_semantics<core_parallel>, #tpu.dimension_semantics<subcore_parallel>], iteration_bounds = array<i64: 2, 16>, scalar_prefetch = 0 : i64, scratch_operands = 3 : i64, tpu.core_type = #tpu.core_type<sc_vector_subcore>, window_params = [{transform_indices = #map}, {transform_indices = #map1}, {transform_indices = #map1}]} {
    %mul3A = arith.constant 2 : i32
    %mul3A_0 = arith.muli %arg1, %mul3A : i32
    %add3A = arith.addi %mul3A_0, %arg0 : i32
    %mul3A_1 = arith.constant 608 : i32
    %mul3A_2 = arith.muli %add3A, %mul3A_1 : i32
    "tpu.region"() ({
      %run_scoped3A = tpu.sem_alloc : memref<!tpu.dma_semaphore, #tpu.memory_space<semaphore_mem>>
      %dma_start3A_7 = tpu.memref_slice %arg2[%mul3A_2] : memref<19456xi32, #tpu.memory_space<hbm>> -> memref<608xi32, #tpu.memory_space<hbm>>
      %dma_start3A_8 = tpu.memref_slice %arg2[%mul3A_2] : memref<19456xi32, #tpu.memory_space<hbm>> -> memref<608xi32, #tpu.memory_space<hbm>>
      tpu.enqueue_dma source(%dma_start3A_8 : memref<608xi32, #tpu.memory_space<hbm>>) target(%arg5 : memref<608xi32, #tpu.memory_space<vmem>>) target_semaphore(%run_scoped3A : memref<!tpu.dma_semaphore, #tpu.memory_space<semaphore_mem>>)
      %dma_wait3A_9 = tpu.memref_slice %arg2[%mul3A_2] : memref<19456xi32, #tpu.memory_space<hbm>> -> memref<608xi32, #tpu.memory_space<hbm>>
      %dma_wait3A_10 = tpu.memref_slice %arg2[%mul3A_2] : memref<19456xi32, #tpu.memory_space<hbm>> -> memref<608xi32, #tpu.memory_space<hbm>>
      tpu.wait_dma2 semaphore(%run_scoped3A : memref<!tpu.dma_semaphore, #tpu.memory_space<semaphore_mem>>) src(%dma_wait3A_10 : memref<608xi32, #tpu.memory_space<hbm>>) dst(%arg5 : memref<608xi32, #tpu.memory_space<vmem>>)
      tpu.yield
    }) : () -> ()
    %dma_start3A = arith.constant 0 : i32
    %dma_start3A_3 = arith.constant 0 : i32
    %dma_start3A_4 = tpu.memref_slice %arg3[%dma_start3A, %dma_start3A_3] : memref<1000x128xf32, #tpu.memory_space<hbm>> -> memref<1000x128xf32, #tpu.memory_space<hbm>>
    tpu.enqueue_indirect_dma source(%dma_start3A_4 : memref<1000x128xf32, #tpu.memory_space<hbm>>) target(%arg6 : memref<608x128xf32, #tpu.memory_space<vmem>>) offsets(%arg5 : memref<608xi32, #tpu.memory_space<vmem>>) semaphore(%arg7 : memref<!tpu.dma_semaphore, #tpu.memory_space<semaphore_mem>>)
    %dma_wait3A = arith.constant 0 : i32
    %dma_wait3A_5 = arith.constant 0 : i32
    %dma_wait3A_6 = tpu.memref_slice %arg3[%dma_wait3A, %dma_wait3A_5] : memref<1000x128xf32, #tpu.memory_space<hbm>> -> memref<1000x128xf32, #tpu.memory_space<hbm>>
    tpu.wait_indirect_dma semaphore(%arg7 : memref<!tpu.dma_semaphore, #tpu.memory_space<semaphore_mem>>) src(%dma_wait3A_6 : memref<1000x128xf32, #tpu.memory_space<hbm>>) dst(%arg6 : memref<608x128xf32, #tpu.memory_space<vmem>>)
    "tpu.region"() ({
      %run_scoped3A = tpu.sem_alloc : memref<!tpu.dma_semaphore, #tpu.memory_space<semaphore_mem>>
      %dma_start3A_7 = arith.constant 0 : i32
      %dma_start3A_8 = tpu.memref_slice %arg4[%mul3A_2, %dma_start3A_7] : memref<19456x128xf32, #tpu.memory_space<hbm>> -> memref<608x128xf32, #tpu.memory_space<hbm>>
      %dma_start3A_9 = arith.constant 0 : i32
      %dma_start3A_10 = tpu.memref_slice %arg4[%mul3A_2, %dma_start3A_9] : memref<19456x128xf32, #tpu.memory_space<hbm>> -> memref<608x128xf32, #tpu.memory_space<hbm>>
      tpu.enqueue_dma source(%arg6 : memref<608x128xf32, #tpu.memory_space<vmem>>) target(%dma_start3A_10 : memref<608x128xf32, #tpu.memory_space<hbm>>) target_semaphore(%run_scoped3A : memref<!tpu.dma_semaphore, #tpu.memory_space<semaphore_mem>>)
      %dma_wait3A_11 = arith.constant 0 : i32
      %dma_wait3A_12 = tpu.memref_slice %arg4[%mul3A_2, %dma_wait3A_11] : memref<19456x128xf32, #tpu.memory_space<hbm>> -> memref<608x128xf32, #tpu.memory_space<hbm>>
      %dma_wait3A_13 = arith.constant 0 : i32
      %dma_wait3A_14 = tpu.memref_slice %arg4[%mul3A_2, %dma_wait3A_13] : memref<19456x128xf32, #tpu.memory_space<hbm>> -> memref<608x128xf32, #tpu.memory_space<hbm>>
      tpu.wait_dma2 semaphore(%run_scoped3A : memref<!tpu.dma_semaphore, #tpu.memory_space<semaphore_mem>>) src(%arg6 : memref<608x128xf32, #tpu.memory_space<vmem>>) dst(%dma_wait3A_14 : memref<608x128xf32, #tpu.memory_space<hbm>>)
      tpu.yield
    }) : () -> ()
    return
  }
}

module attributes {stable_mosaic.version = 14 : i64} {
  func.func @_lstm_proj_body(%arg0: i32, %arg1: memref<1024x128xf32, #tpu.memory_space<vmem>>, %arg2: memref<1x1024x128xf32, #tpu.memory_space<vmem>>, %arg3: memref<1024x128xf32, #tpu.memory_space<vmem>>, %arg4: memref<1024x256xf32, #tpu.memory_space<vmem>>, %arg5: memref<1024x1xf32, #tpu.memory_space<vmem>>, %arg6: memref<1000x256xf32, #tpu.memory_space<vmem>>, %arg7: memref<1000x1xf32, #tpu.memory_space<vmem>>, %arg8: memref<1x1000x1024xf32, #tpu.memory_space<vmem>>, %arg9: memref<256x1024xf32, #tpu.memory_space<vmem>>, %arg10: memref<256x1024xf32, #tpu.memory_space<vmem>>) attributes {dimension_semantics = [#tpu.dimension_semantics<arbitrary>], iteration_bounds = array<i64: 20>, scalar_prefetch = 0 : i64, scratch_operands = 2 : i64, tpu.core_type = #tpu.core_type<tc>, window_params = [{pipeline_mode = #tpu.pipeline_mode<synchronous>, transform_indices = @transform_0, window_bounds = array<i64: 1024, 128>}, {transform_indices = @transform_1, window_bounds = array<i64: 1, 1024, 128>}, {pipeline_mode = #tpu.pipeline_mode<synchronous>, transform_indices = @transform_2, window_bounds = array<i64: 1024, 128>}, {pipeline_mode = #tpu.pipeline_mode<synchronous>, transform_indices = @transform_3, window_bounds = array<i64: 1024, 256>}, {pipeline_mode = #tpu.pipeline_mode<synchronous>, transform_indices = @transform_4, window_bounds = array<i64: 1024, 1>}, {pipeline_mode = #tpu.pipeline_mode<synchronous>, transform_indices = @transform_5, window_bounds = array<i64: 1000, 256>}, {pipeline_mode = #tpu.pipeline_mode<synchronous>, transform_indices = @transform_6, window_bounds = array<i64: 1000, 1>}, {transform_indices = @transform_7, window_bounds = array<i64: 1, 1000, 1024>}]} {
    %eq3A = arith.constant 0 : i32
    %eq3A_0 = arith.cmpi eq, %arg0, %eq3A : i32
    %convert_element_type3A = arith.extui %eq3A_0 : i1 to i32
    %cond3A = arith.constant 0 : i32
    %cond3A_1 = arith.cmpi ne, %convert_element_type3A, %cond3A : i32
    scf.if %cond3A_1 {
      %broadcast_in_dim3A = arith.constant 0.000000e+00 : f32
      %broadcast_in_dim3A_76 = vector.broadcast %broadcast_in_dim3A : f32 to vector<256x1024xf32>
      %swap3A_77 = arith.constant 0 : index
      %swap3A_78 = arith.constant 0 : index
      %swap3A_79 = vector.load %arg9[%swap3A_77, %swap3A_78] : memref<256x1024xf32, #tpu.memory_space<vmem>>, vector<256x1024xf32>
      tpu.vector_store %arg9[%swap3A_77, %swap3A_78], %broadcast_in_dim3A_76 {strides = array<i32>} : memref<256x1024xf32, #tpu.memory_space<vmem>>, vector<256x1024xf32>,
      %broadcast_in_dim3A_80 = arith.constant 0.000000e+00 : f32
      %broadcast_in_dim3A_81 = vector.broadcast %broadcast_in_dim3A_80 : f32 to vector<256x1024xf32>
      %swap3A_82 = arith.constant 0 : index
      %swap3A_83 = arith.constant 0 : index
      %swap3A_84 = vector.load %arg10[%swap3A_82, %swap3A_83] : memref<256x1024xf32, #tpu.memory_space<vmem>>, vector<256x1024xf32>
      tpu.vector_store %arg10[%swap3A_82, %swap3A_83], %broadcast_in_dim3A_81 {strides = array<i32>} : memref<256x1024xf32, #tpu.memory_space<vmem>>, vector<256x1024xf32>,
    } else {
    }
    %eq3A_2 = arith.constant 0 : i32
    %eq3A_3 = arith.cmpi eq, %arg0, %eq3A_2 : i32
    %get3A = arith.constant 0 : index
    %get3A_4 = arith.constant 0 : index
    %get3A_5 = vector.load %arg1[%get3A, %get3A_4] : memref<1024x128xf32, #tpu.memory_space<vmem>>, vector<1024x128xf32>
    %get3A_6 = arith.constant 0 : index
    %get3A_7 = arith.constant 0 : index
    %get3A_8 = arith.constant 0 : index
    %get3A_9 = vector.load %arg2[%get3A_6, %get3A_7, %get3A_8] : memref<1x1024x128xf32, #tpu.memory_space<vmem>>, vector<1x1024x128xf32>
    %get3A_10 = vector.shape_cast %get3A_9 : vector<1x1024x128xf32> to vector<1024x128xf32>
    %select_n3A = arith.select %eq3A_3, %get3A_5, %get3A_10 : vector<1024x128xf32>
    %transpose3A = tpu.transpose %select_n3A, [1, 0] : vector<1024x128xf32> -> vector<128x1024xf32>
    %get3A_11 = arith.constant 0 : index
    %get3A_12 = arith.constant 0 : index
    %get3A_13 = vector.load %arg9[%get3A_11, %get3A_12] : memref<256x1024xf32, #tpu.memory_space<vmem>>, vector<256x1024xf32>
    %get3A_14 = arith.constant 0 : index
    %get3A_15 = arith.constant 0 : index
    %get3A_16 = vector.load %arg3[%get3A_14, %get3A_15] : memref<1024x128xf32, #tpu.memory_space<vmem>>, vector<1024x128xf32>
    %dot_general3A = arith.constant dense<0.000000e+00> : vector<1024x1024xf32>
    %dot_general3A_17 = tpu.matmul %get3A_16, %transpose3A, %dot_general3A {dimension_numbers = #tpu.dot_dimension_numbers<[1], [0], [0], [1], [0, 0, 1, 1], [], []>, transpose_lhs_hint = false} : vector<1024x128xf32>, vector<128x1024xf32>, vector<1024x1024xf32> -> vector<1024x1024xf32>
    %get3A_18 = arith.constant 0 : index
    %get3A_19 = arith.constant 0 : index
    %get3A_20 = vector.load %arg4[%get3A_18, %get3A_19] : memref<1024x256xf32, #tpu.memory_space<vmem>>, vector<1024x256xf32>
    %dot_general3A_21 = arith.constant dense<0.000000e+00> : vector<1024x1024xf32>
    %dot_general3A_22 = tpu.matmul %get3A_20, %get3A_13, %dot_general3A_21 {dimension_numbers = #tpu.dot_dimension_numbers<[1], [0], [0], [1], [0, 0, 1, 1], [], []>, transpose_lhs_hint = false} : vector<1024x256xf32>, vector<256x1024xf32>, vector<1024x1024xf32> -> vector<1024x1024xf32>
    %add3A = arith.addf %dot_general3A_17, %dot_general3A_22 : vector<1024x1024xf32>
    %get3A_23 = arith.constant 0 : index
    %get3A_24 = arith.constant 0 : index
    %get3A_25 = vector.load %arg5[%get3A_23, %get3A_24] : memref<1024x1xf32, #tpu.memory_space<vmem>>, vector<1024x1xf32>
    %add3A_26 = vector.broadcast %get3A_25 : vector<1024x1xf32> to vector<1024x1024xf32>
    %add3A_27 = arith.addf %add3A, %add3A_26 : vector<1024x1024xf32>
    %slice3A = vector.extract_strided_slice %add3A_27 {offsets = [0, 0], sizes = [256, 1024], strides = [1, 1]} : vector<1024x1024xf32> to vector<256x1024xf32>
    %logistic3A = arith.negf %slice3A : vector<256x1024xf32>
    %logistic3A_28 = math.exp %logistic3A : vector<256x1024xf32>
    %logistic3A_29 = arith.constant 1.000000e+00 : f32
    %logistic3A_30 = vector.broadcast %logistic3A_29 : f32 to vector<256x1024xf32>
    %logistic3A_31 = arith.addf %logistic3A_30, %logistic3A_28 : vector<256x1024xf32>
    %logistic3A_32 = arith.divf %logistic3A_30, %logistic3A_31 : vector<256x1024xf32>
    %slice3A_33 = vector.extract_strided_slice %add3A_27 {offsets = [256, 0], sizes = [256, 1024], strides = [1, 1]} : vector<1024x1024xf32> to vector<256x1024xf32>
    %logistic3A_34 = arith.negf %slice3A_33 : vector<256x1024xf32>
    %logistic3A_35 = math.exp %logistic3A_34 : vector<256x1024xf32>
    %logistic3A_36 = arith.constant 1.000000e+00 : f32
    %logistic3A_37 = vector.broadcast %logistic3A_36 : f32 to vector<256x1024xf32>
    %logistic3A_38 = arith.addf %logistic3A_37, %logistic3A_35 : vector<256x1024xf32>
    %logistic3A_39 = arith.divf %logistic3A_37, %logistic3A_38 : vector<256x1024xf32>
    %slice3A_40 = vector.extract_strided_slice %add3A_27 {offsets = [512, 0], sizes = [256, 1024], strides = [1, 1]} : vector<1024x1024xf32> to vector<256x1024xf32>
    %tanh3A = math.tanh %slice3A_40 : vector<256x1024xf32>
    %slice3A_41 = vector.extract_strided_slice %add3A_27 {offsets = [768, 0], sizes = [256, 1024], strides = [1, 1]} : vector<1024x1024xf32> to vector<256x1024xf32>
    %logistic3A_42 = arith.negf %slice3A_41 : vector<256x1024xf32>
    %logistic3A_43 = math.exp %logistic3A_42 : vector<256x1024xf32>
    %logistic3A_44 = arith.constant 1.000000e+00 : f32
    %logistic3A_45 = vector.broadcast %logistic3A_44 : f32 to vector<256x1024xf32>
    %logistic3A_46 = arith.addf %logistic3A_45, %logistic3A_43 : vector<256x1024xf32>
    %logistic3A_47 = arith.divf %logistic3A_45, %logistic3A_46 : vector<256x1024xf32>
    %get3A_48 = arith.constant 0 : index
    %get3A_49 = arith.constant 0 : index
    %get3A_50 = vector.load %arg10[%get3A_48, %get3A_49] : memref<256x1024xf32, #tpu.memory_space<vmem>>, vector<256x1024xf32>
    %mul3A = arith.mulf %logistic3A_39, %get3A_50 : vector<256x1024xf32>
    %mul3A_51 = arith.mulf %logistic3A_32, %tanh3A : vector<256x1024xf32>
    %add3A_52 = arith.addf %mul3A, %mul3A_51 : vector<256x1024xf32>
    %tanh3A_53 = math.tanh %add3A_52 : vector<256x1024xf32>
    %mul3A_54 = arith.mulf %logistic3A_47, %tanh3A_53 : vector<256x1024xf32>
    %swap3A = arith.constant 0 : index
    %swap3A_55 = arith.constant 0 : index
    %swap3A_56 = vector.load %arg10[%swap3A, %swap3A_55] : memref<256x1024xf32, #tpu.memory_space<vmem>>, vector<256x1024xf32>
    tpu.vector_store %arg10[%swap3A, %swap3A_55], %add3A_52 {strides = array<i32>} : memref<256x1024xf32, #tpu.memory_space<vmem>>, vector<256x1024xf32>,
    %swap3A_57 = arith.constant 0 : index
    %swap3A_58 = arith.constant 0 : index
    %swap3A_59 = vector.load %arg9[%swap3A_57, %swap3A_58] : memref<256x1024xf32, #tpu.memory_space<vmem>>, vector<256x1024xf32>
    tpu.vector_store %arg9[%swap3A_57, %swap3A_58], %mul3A_54 {strides = array<i32>} : memref<256x1024xf32, #tpu.memory_space<vmem>>, vector<256x1024xf32>,
    %get3A_60 = arith.constant 0 : index
    %get3A_61 = arith.constant 0 : index
    %get3A_62 = vector.load %arg6[%get3A_60, %get3A_61] : memref<1000x256xf32, #tpu.memory_space<vmem>>, vector<1000x256xf32>
    %dot_general3A_63 = arith.constant dense<0.000000e+00> : vector<1000x1024xf32>
    %dot_general3A_64 = tpu.matmul %get3A_62, %mul3A_54, %dot_general3A_63 {dimension_numbers = #tpu.dot_dimension_numbers<[1], [0], [0], [1], [0, 0, 1, 1], [], []>, transpose_lhs_hint = false} : vector<1000x256xf32>, vector<256x1024xf32>, vector<1000x1024xf32> -> vector<1000x1024xf32>
    %get3A_65 = arith.constant 0 : index
    %get3A_66 = arith.constant 0 : index
    %get3A_67 = vector.load %arg7[%get3A_65, %get3A_66] : memref<1000x1xf32, #tpu.memory_space<vmem>>, vector<1000x1xf32>
    %add3A_68 = vector.broadcast %get3A_67 : vector<1000x1xf32> to vector<1000x1024xf32>
    %add3A_69 = arith.addf %dot_general3A_64, %add3A_68 : vector<1000x1024xf32>
    %swap3A_70 = arith.constant 0 : index
    %swap3A_71 = arith.constant 0 : index
    %swap3A_72 = arith.constant 0 : index
    %swap3A_73 = vector.load %arg8[%swap3A_70, %swap3A_71, %swap3A_72] : memref<1x1000x1024xf32, #tpu.memory_space<vmem>>, vector<1x1000x1024xf32>
    %swap3A_74 = vector.shape_cast %swap3A_73 : vector<1x1000x1024xf32> to vector<1000x1024xf32>
    %swap3A_75 = vector.shape_cast %add3A_69 : vector<1000x1024xf32> to vector<1x1000x1024xf32>
    tpu.vector_store %arg8[%swap3A_70, %swap3A_71, %swap3A_72], %swap3A_75 {strides = array<i32>} : memref<1x1000x1024xf32, #tpu.memory_space<vmem>>, vector<1x1000x1024xf32>,
    return
  }
  func.func @transform_0(%arg0: i32) -> (i32, i32) {
    %c0_i32 = arith.constant 0 : i32
    %c0_i32_0 = arith.constant 0 : i32
    %c0_i32_1 = arith.constant 0 : i32
    return %c0_i32, %c0_i32_0 : i32, i32
  }
  func.func @transform_1(%arg0: i32) -> (i32, i32, i32) {
    %sub3A = arith.constant 1 : i32
    %sub3A_0 = arith.subi %arg0, %sub3A : i32
    %max3A = arith.constant 0 : i32
    %max3A_1 = arith.maxsi %sub3A_0, %max3A : i32
    %c0_i32 = arith.constant 0 : i32
    %c0_i32_2 = arith.constant 0 : i32
    %c0_i32_3 = arith.constant 0 : i32
    return %max3A_1, %c0_i32, %c0_i32_2 : i32, i32, i32
  }
  func.func @transform_2(%arg0: i32) -> (i32, i32) {
    %c0_i32 = arith.constant 0 : i32
    %c0_i32_0 = arith.constant 0 : i32
    %c0_i32_1 = arith.constant 0 : i32
    return %c0_i32, %c0_i32_0 : i32, i32
  }
  func.func @transform_3(%arg0: i32) -> (i32, i32) {
    %c0_i32 = arith.constant 0 : i32
    %c0_i32_0 = arith.constant 0 : i32
    %c0_i32_1 = arith.constant 0 : i32
    return %c0_i32, %c0_i32_0 : i32, i32
  }
  func.func @transform_4(%arg0: i32) -> (i32, i32) {
    %c0_i32 = arith.constant 0 : i32
    %c0_i32_0 = arith.constant 0 : i32
    %c0_i32_1 = arith.constant 0 : i32
    return %c0_i32, %c0_i32_0 : i32, i32
  }
  func.func @transform_5(%arg0: i32) -> (i32, i32) {
    %c0_i32 = arith.constant 0 : i32
    %c0_i32_0 = arith.constant 0 : i32
    %c0_i32_1 = arith.constant 0 : i32
    return %c0_i32, %c0_i32_0 : i32, i32
  }
  func.func @transform_6(%arg0: i32) -> (i32, i32) {
    %c0_i32 = arith.constant 0 : i32
    %c0_i32_0 = arith.constant 0 : i32
    %c0_i32_1 = arith.constant 0 : i32
    return %c0_i32, %c0_i32_0 : i32, i32
  }
  func.func @transform_7(%arg0: i32) -> (i32, i32, i32) {
    %c0_i32 = arith.constant 0 : i32
    %c0_i32_0 = arith.constant 0 : i32
    %c0_i32_1 = arith.constant 0 : i32
    return %arg0, %c0_i32, %c0_i32_0 : i32, i32, i32
  }
}

</mosaic_0001>

<sc_bundles>
// kernel: kernel.4.cloned.1.call-start
scs
__scs_entry_jumppad:
0x0: {  	(pc) =	sbr.rel $0x88, $3  }
0x1: {  	(tag) =	ssettag $0x0;
	lr =	simm.s32 $0x1  }
0x2: {  	[smem:$0x3F98] =	sst lr;
	_ =	strace $0xD0000000  }
0x3: {  	_ = 	snop  }
0x4: {  	_ = 	snop  }
0x5: {  	_ = 	snop  }
0x6: {  	_ = 	snop  }
0x7: {  	_ = 	snop  }
__scs_overlays_trampoline_lowered:
0x8: {  	[smem:$0x3FA7] =	sst s0  }
0x9: {  	[smem:$0x3FA8] =	sst s1  }
0xa: {  	[smem:$0x3FA9] =	sst s2  }
0xb: {  	[smem:$0x3FAA] =	sst s3  }
0xc: {  	[smem:$0x3FAB] =	sst s4  }
0xd: {  	[smem:$0x3FAC] =	sst s5  }
0xe: {  	[smem:$0x3FAD] =	sst s6  }
0xf: {  	[smem:$0x3FAE] =	sst s7  }
0x10: {  	[smem:$0x3FAF] =	sst s8  }
0x11: {  	[smem:$0x3FB0] =	sst s9;
	s0 =	simm.s32 @!p0 $0x0  }
0x12: {  	s1 =	sld [smem:$0x3F96];
	s0 =	simm.s32 @p0 $0x1  }
0x13: {  	[smem:$0x3FB1] =	sst s0;
	s0 =	simm.s32 @!p1 $0x0  }
0x14: {  	s2 =	sld [smem:$0x3F95];
	s0 =	simm.s32 @p1 $0x1  }
0x15: {  	[smem:$0x3FB2] =	sst s0;
	s0 =	simm.s32 @!p2 $0x0  }
0x16: {  	s3 =	sld [smem:$0x3FDB];
	s0 =	simm.s32 @p2 $0x1  }
0x17: {  	s4 =	simm.s32 $0x1BF5;
	[smem:$0x3FB4] =	sst s0  }
0x18: {  	s0 =	sld [smem:$0x3F97];
	_ =	swait.ge [sflag:s4], $0x0  }
0x19: {  	s7 =	sld [smem:$0x3F98]  }
0x1a: {  	s8 =	sadd.s32 $0xFFFFE003, lr  }
0x1b: {  	s9 =	sadd.s32 $0xFFFFFEF7, lr;
	s5 =	simm.s32 $0xFFFFFFFF;
	p2 =	slt.u32 s8, $0xFFFFF086  }
0x1c: {  	p1 =	slt.u32 s9, $0xF7A;
	s5 =	simm.s32 @!p2 $0x0  }
0x1d: {  	s5 =	simm.s32 @p1 $0x1;
	p0 =	seq.s32 s7, s2  }
0x1e: {  	s7 =	smul.u32 @!p0 $0xF7A, s2;
	p2 =	seq.s32 @!p0 s5, $0x0  }
0x1f: {  	s9 =	smul.u32 $0xF7A, s1;
	s8 =	simm.s32 @!p0 $0x1BF5;
	p2 =	por !p2, p0  }
0x20: {  	[sflag:s8] =	ssyncset.s32 @!p0 $0xFFFFF086;
	s6 =	sadd.s32 @!p0 s3, s7;
	s7 =	simm.s32 @!p0 $0x108  }
0x21: {  	s3 =	sadd.s32 s3, s9;
	s6 =	sadd.s32 @!p0 $0x88, s6;
	s7 =	simm.s32 @p2 $0x1082  }
0x22: {  	[simem:s7], [sflag:s8] =	dma.local @!p0 [hbm:s6], $0xF7A  }
0x23: {  	s9 =	sor.u32 $0xD0000000, s2;
	s6 =	simm.s32 $0x108;
	_ =	swait.ge @!p0 [sflag:s8], $0x0  }
0x24: {  	s3 =	sadd.s32 $0x88, s3;
	s6 =	simm.s32 @!p1 $0x1082;
	[sflag:s4] =	ssyncset.s32 $0xFFFFF086  }
0x25: {  	[simem:s6], [sflag:s4] =	dma.local [hbm:s3], $0xF7A  }
0x26: {  	[smem:$0x3F98] =	sst s1;
	(tag) =	ssettag s2;
	_ =	strace s9  }
0x27: {  	s1 =	sld [smem:$0x3FA8]  }
0x28: {  	s2 =	sld [smem:$0x3FA9]  }
0x29: {  	s4 =	sld [smem:$0x3FAB]  }
0x2a: {  	p0 =	seq.s32 s5, $0x0;
	s5 =	sld [smem:$0x3FAC]  }
0x2b: {  	s6 =	sld [smem:$0x3FAD]  }
0x2c: {  	s7 =	sld [smem:$0x3FAE]  }
0x2d: {  	s3 =	simm.s32 $0x108;
	s8 =	sld [smem:$0x3FAF]  }
0x2e: {  	s3 =	simm.s32 @!p0 $0x1082;
	s9 =	sld [smem:$0x3FB0]  }
0x2f: {  	lr =	sadd.s32 s0, s3;
	s0 =	sld [smem:$0x3FA7]  }
0x30: {  	s3 =	sld [smem:$0x3FAA]  }
0x31: {  	[smem:$0x3FB3] =	sst s10  }
0x32: {  	s10 =	sld [smem:$0x3FB1];
	_ =	sdelay $0x3  }
0x33: {  	p0 =	seq.s32 s10, $0x1;
	s10 =	sld [smem:$0x3FB3];
	_ =	sdelay $0x3  }
0x34: {  	[smem:$0x3FB3] =	sst s10  }
0x35: {  	s10 =	sld [smem:$0x3FB2];
	_ =	sdelay $0x3  }
0x36: {  	p1 =	seq.s32 s10, $0x1;
	s10 =	sld [smem:$0x3FB3];
	_ =	sdelay $0x3  }
0x37: {  	[smem:$0x3FB3] =	sst s10  }
0x38: {  	s10 =	sld [smem:$0x3FB4]  }
0x39: {  	_ = 	snop;
	(pc) =	sbr.ind lr, $3  }
0x3a: {  	_ = 	snop  }
0x3b: {  	_ = 	snop  }
0x3c: {  	p2 =	seq.s32 s10, $0x1;
	s10 =	sld [smem:$0x3FB3]  }
0x3d: {  	_ =	shalt  }
0x3e: {  	_ =	shalt  }
0x3f: {  	_ =	shalt  }
0x40: {  	_ =	shalt  }
0x41: {  	_ =	shalt  }
0x42: {  	_ =	shalt  }
0x43: {  	_ =	shalt  }
0x44: {  	_ =	shalt  }
0x45: {  	_ =	shalt  }
0x46: {  	_ =	shalt  }
0x47: {  	_ =	shalt  }
0x48: {  	_ =	shalt  }
0x49: {  	_ =	shalt  }
0x4a: {  	_ =	shalt  }
0x4b: {  	_ =	shalt  }
0x4c: {  	_ =	shalt  }
0x4d: {  	_ =	shalt  }
0x4e: {  	_ =	shalt  }
0x4f: {  	_ =	shalt  }
0x50: {  	_ =	shalt  }
0x51: {  	_ =	shalt  }
0x52: {  	_ =	shalt  }
0x53: {  	_ =	shalt  }
0x54: {  	_ =	shalt  }
0x55: {  	_ =	shalt  }
0x56: {  	_ =	shalt  }
0x57: {  	_ =	shalt  }
0x58: {  	_ =	shalt  }
0x59: {  	_ =	shalt  }
0x5a: {  	_ =	shalt  }
0x5b: {  	_ =	shalt  }
0x5c: {  	_ =	shalt  }
0x5d: {  	_ =	shalt  }
0x5e: {  	_ =	shalt  }
0x5f: {  	_ =	shalt  }
0x60: {  	_ =	shalt  }
0x61: {  	_ =	shalt  }
0x62: {  	_ =	shalt  }
0x63: {  	_ =	shalt  }
0x64: {  	_ =	shalt  }
0x65: {  	_ =	shalt  }
0x66: {  	_ =	shalt  }
0x67: {  	_ =	shalt  }
0x68: {  	_ =	shalt  }
0x69: {  	_ =	shalt  }
0x6a: {  	_ =	shalt  }
0x6b: {  	_ =	shalt  }
0x6c: {  	_ =	shalt  }
0x6d: {  	_ =	shalt  }
0x6e: {  	_ =	shalt  }
0x6f: {  	_ =	shalt  }
0x70: {  	_ =	shalt  }
0x71: {  	_ =	shalt  }
0x72: {  	_ =	shalt  }
0x73: {  	_ =	shalt  }
0x74: {  	_ =	shalt  }
0x75: {  	_ =	shalt  }
0x76: {  	_ =	shalt  }
0x77: {  	_ =	shalt  }
0x78: {  	_ =	shalt  }
0x79: {  	_ =	shalt  }
0x7a: {  	_ =	shalt  }
0x7b: {  	_ =	shalt  }
0x7c: {  	_ =	shalt  }
0x7d: {  	_ =	shalt  }
0x7e: {  	_ =	shalt  }
0x7f: {  	_ =	shalt  }
0x80: {  	_ =	shalt  }
0x81: {  	_ =	shalt  }
0x82: {  	_ =	shalt  }
0x83: {  	_ =	shalt  }
0x84: {  	_ =	shalt  }
0x85: {  	_ =	shalt  }
0x86: {  	_ =	shalt  }
0x87: {  	_ =	shalt  }
.Lfunc_end0:
.L_simem_size_0:
called_computation_lowered:
.L_overlay_start_0:
0x88: {  	s2 =	sld [smem:$0x3FD9]  }
0x89: {  	s3 =	sld [smem:$0x3FFE];
	_ =	sdelay $0x1  }
0x8a: {  	s1 =	srdreg.scid  }
0x8b: {  	s0 =	sand.u32 $0x1, s1  }
0x8c: {  	s17 =	sshll.u32 s0, $0xA;
	s2 =	sadd.s32 s3, s2  }
0x8d: {  	s2 =	sadd.s32 s2, s17  }
0x8e: {  	[smem:$0x3FBF] =	sst s2  }
0x8f: {  	_ = 	snop  }
0x90: {  	s2 =	sld [smem:$0x3FC7]  }
0x91: {  	s18 =	sld [smem:$0x3FD0];
	(tm) =	ssettm $0x1  }
0x92: {  	s4 =	sld [smem:$0x3FFB];
	_ =	sdelay $0x3  }
0x93: {  	_ =	strace s4  }
0x94: {  	s4 =	sld [smem:$0x3FFC];
	_ =	sdelay $0x3  }
0x95: {  	_ =	strace s4  }
0x96: {  	s4 =	sld [smem:$0x3FFD];
	_ =	sdelay $0x3  }
0x97: {  	_ =	strace s4  }
0x98: {  	_ =	strace $0x8FFFFFFF  }
0x99: {  	s19 =	sld [smem:$0x3FDB];
	_ =	sdelay $0x1  }
0x9a: {  	s5 =	simm.s32 $_scs_section_size  }
0x9b: {  	s6 =	simm.s32 $_size__tile_overlayer_lowered;
	s7 =	simm.s32 $_tile_overlayer_lowered  }
0x9c: {  	s22 =	simm.s32 $0x1BFF;
	s21 =	sshll.u32 s7, $0x1;
	s4 =	sadd.s32 s5, s19  }
0x9d: {  	s8 =	simm.s32 $0x0;
	s20 =	sshll.u32 s6, $0x1;
	s6 =	sadd.s32 s21, s4  }
0x9e: {  	[timem:s8], [sflag:s22] =	dma.local [hbm:s6], s20  }
0x9f: {  	_ =	swait.ge [sflag:s22], s20  }
0xa0: {  	s5 =	ssub.s32 $0x0, s20;
	[sflag:s22] =	ssyncset.done $0x0  }
0xa1: {  	[sflag:s22] =	ssyncadd.s32 s5;
	_ =	sdelay $0x1  }
0xa2: {  	s23 =	simm.s32 $0x1B8B  }
0xa3: {  	_ =	swait.ge [sflag:s23], $0x1  }
0xa4: {  	[sflag:s23] =	ssyncset.done $0x0  }
0xa5: {  	s25 =	simm.s32 $0x1B8E;
	s24 =	sld [smem:$0x3FFE];
	[sflag:s23] =	ssyncadd.s32 $0xFFFFFFFF  }
0xa6: {  	s26 =	simm.s32 $execute0_lowered;
	[smem:$0x3FD2] =	sst s25  }
0xa7: {  	s6 =	sshll.u32 s26, $0x1;
	_ =	strace $0x80000046;
	[dreg:$0x1] =	wrdreg $0xFFFFFFFF  }
0xa8: {  	s28 =	simm.s32 $_size_execute0_lowered;
	s4 =	sadd.s32 s4, s6;
	[dreg:$0x0] =	wrdreg $0x0  }
0xa9: {  	s6 =	sshll.u32 s28, $0x1;
	[dreg:$0x2] =	wrdreg s4  }
0xaa: {  	[dreg:$0x3] =	wrdreg s6  }
0xab: {  	[dreg:$0x4] =	wrdreg $0xC0  }
0xac: {  	_ =	task [dreg:s8], $0x5FFFF  }
0xad: {  	[dreg:$0x1] =	wrdreg $0xFFFFFFFF  }
0xae: {  	[dreg:$0x0] =	wrdreg $0x60  }
0xaf: {  	[dreg:$0x2] =	wrdreg s24  }
0xb0: {  	[dreg:$0x3] =	wrdreg s2  }
0xb1: {  	[dreg:$0x4] =	wrdreg s18  }
0xb2: {  	[dreg:$0x5] =	wrdreg $0x9  }
0xb3: {  	_ =	task.clear_ibuf [dreg:s8], $0x6FFFF;
	_ =	strace $0x90000046  }
0xb4: {  	s29 =	simm.s32 $0x9;
	_ =	strace $0x80000048  }
0xb5: {  	_ =	swait.ge [sflag:s29], $0x1  }
0xb6: {  	[sflag:s29] =	ssyncadd.s32 $0xFFFFFFFF  }
0xb7: {  	_ =	strace $0x90000048  }
0xb8: {  	_ =	sfence  }
0xb9: {  	s30 =	sld [smem:$0x0];
	_ =	sdelay $0x2  }
0xba: {  	s31 =	sshll.u32 s1, $0xD;
	s1 =	sshrl.u32 s1, $0x2  }
0xbb: {  	s3 =	sand.u32 $0x4000, s31;
	s1 =	sadd.s32 s1, s30  }
0xbc: {  	s0 =	sor.u32 s3, s0;
	s1 =	sshll.u32 s1, $0x11  }
0xbd: {  	s0 =	sor.u32 s1, s0  }
0xbe: {  	s0 =	sadd.s32 $0x8F2B, s0  }
0xbf: {  	[sflag:s0] =	ssyncadd.remote.s32 $0x1  }
0xc0: {  	_ =	sfence.sel $0xFFFF  }
0xc1: {  	[dreg:$0x0] =	wrdreg $0xFFFFFFFF;
	(pc) =	sbr.abs _section_cstart, $3  }
0xc2: {  	[dreg:$0x1] =	wrdreg $0xFFFFFFFF  }
0xc3: {  	_ =	task.clear_ibuf [dreg:s8], $0x2FFFF;
	_ =	strace $0x9FFFFFFF  }
0xc4: {  	(tm) =	ssettm $0x7FFFFFFF  }
0xc5: {  	_ =	shalt  }
tec
execute0_lowered:
.L_overlay_start_1:
0x0: {  	(tag) =	ssettag $0x1  }
0x1: {  	s1 =	srdreg.scid;
	s0 =	stileid.u32  }
0x2: {  	s4 =	rddreg [dreg:$0x0];
	s6 =	sand.u32 $0x1, s1;
	s30 =	sshll.u32 s0, $0x1  }
0x3: {  	s2 =	rddreg [dreg:$0x1];
	s9 =	sor.u32 s6, s30  }
0x4: {  	s10 =	rddreg [dreg:$0x2];
	s3 =	simm.s32 $0x0;
	s5 =	smul.u32 $0x4C, s9  }
0x5: {  	[smem:$0x7FF] =	sst s3  }
0x6: {  	s1 =	rddreg [dreg:$0x3];
	_ =	strace $0x80000047;
	s4 =	sadd.s32 s5, s4  }
0x7: {  	s11 =	ssub.s32 $0x2, s6;
	s5 =	sadd.s32 $0xE00, s4;
	s4 =	simm.s32 $0x2  }
0x8: {  	[tilespmem:s3], [sflag:$0x2] =	stream.linear.gather [hbm4b:s5+s3], $0x260, $0x38;
	[tilespmem:$0x13280] =	vst v63  }
0x9: {  	s7 =	simm.s32 $0x280;
	s12 =	sshrl.u32 s11, $0x1;
	_ =	swait.ge [sflag:s4], $0x260  }
0xa: {  	s8 =	simm.s32 $0x1;
	s11 =	ssub.s32 s11, s12;
	[sflag:s4] =	ssyncset.done $0x0  }
0xb: {  	s6 =	simm.s32 $0x260;
	s31 =	smax.u32 s11, $0x1;
	[sflag:s4] =	ssyncadd.s32 $0xFFFFFDA0  }
0xc: {  	[tilespmem:s7], [sflag:$0x1] =	stream.indirect.gather [hbm4b:s2+s6], $0x80, s3, s6, $0xb8;
	[tilespmem:$0x13280] =	vst v63  }
0xd: {  	s9 =	smul.u32 $0x2600, s9;
	p0 =	sne.s32 s31, $0x1;
	_ =	swait.ge [sflag:s8], $0x13000  }
.Ltmp0:
0xe: {  	[sflag:s8] =	ssyncset.done $0x0;
	(pc) =	sbr.rel @!p0 .LBB2_2-.Ltmp0, $4  }
0xf: {  	s9 =	sadd.s32 s10, s9;
	[sflag:s8] =	ssyncadd.s32 $0xFFFED000  }
0x10: {  	[hbm4b:s9+s3] =	stream.linear.scatter [tilespmem:s7], [sflag:$0x2], $0x13000, $0x38;
	[tilespmem:$0x13280] =	vst v63  }
0x11: {  	_ =	swait.ge [sflag:s4], $0x13000  }
0x12: {  	s10 =	sadd.s32 $0xFFFFFFFF, s31;
	[sflag:s4] =	ssyncset.done $0x0  }
.LBB2_1:
0x13: {  	p0 =	sne.s32 s10, $0x1;
	s10 =	sadd.s32 $0xFFFFFFFF, s10;
	[sflag:s4] =	ssyncadd.s32 $0xFFFED000  }
0x14: {  	[tilespmem:s3], [sflag:$0x2] =	stream.linear.gather [hbm4b:s5+s3], $0x260, $0x38;
	[tilespmem:$0x13280] =	vst v63  }
0x15: {  	_ =	swait.ge [sflag:s4], $0x260  }
0x16: {  	[sflag:s4] =	ssyncset.done $0x0  }
0x17: {  	[sflag:s4] =	ssyncadd.s32 $0xFFFFFDA0  }
0x18: {  	[tilespmem:s7], [sflag:$0x1] =	stream.indirect.gather [hbm4b:s2+s6], $0x80, s3, s6, $0xb8;
	[tilespmem:$0x13280] =	vst v63  }
0x19: {  	_ =	swait.ge [sflag:s8], $0x13000  }
.Ltmp1:
0x1a: {  	[sflag:s8] =	ssyncset.done $0x0;
	(pc) =	sbr.rel @p0 .LBB2_1-.Ltmp1, $4  }
0x1b: {  	[sflag:s8] =	ssyncadd.s32 $0xFFFED000  }
0x1c: {  	[hbm4b:s9+s3] =	stream.linear.scatter [tilespmem:s7], [sflag:$0x2], $0x13000, $0x38;
	[tilespmem:$0x13280] =	vst v63  }
0x1d: {  	_ =	swait.ge [sflag:s4], $0x13000  }
0x1e: {  	[sflag:s4] =	ssyncset.done $0x0  }
.LBB2_2:
0x1f: {  	[sflag:s4] =	ssyncadd.s32 $0xFFFED000  }
0x20: {  	_ =	sfence.sel $0x180000  }
0x21: {  	[bflag:$0x0] =	sbarrier.arrive $0xFFFF  }
0x22: {  	p0 =	sne.s32 s0, $0x0;
	_ =	strace $0x90000047  }
0x23: {  	s0 =	sadd.s32 @!p0 $0x100000, s1;
	[bflag:$0x2] =	sbarrier.arrive $0xFFFF  }
0x24: {  	[sflag:s0] =	ssyncadd.tile.s32 @!p0 $0x1;
	_ =	shalt  }
.Lfunc_end2:
_tile_overlayer_lowered:
.L_overlay_start_2:
0x25: {  	(tag) =	ssettag $0x2  }
0x26: {  	s0 =	rddreg [dreg:$0x0];
	s2 =	stileid.u32  }
0x27: {  	s1 =	rddreg [dreg:$0x1];
	p0 =	sne.s32 s2, $0x0  }
0x28: {  	s3 =	rddreg [dreg:$0x2];
	[bflag:$0x3] =	sbarrier.arrive $0xFFFF;
	s2 =	simm.s32 @!p0 $0x1C02  }
0x29: {  	[timem:s3], [sflag:s2] =	dma.local @!p0 [hbm:s0], s1  }
0x2a: {  	s0 =	simm.s32 @!p0 $0x2  }
0x2b: {  	_ =	swait.ge @!p0 [sflag:s0], s1  }
0x2c: {  	s1 =	ssub.s32 @!p0 $0x0, s1;
	[sflag:s0] =	ssyncset.done @!p0 $0x0  }
0x2d: {  	[sflag:s0] =	ssyncadd.s32 @!p0 s1  }
0x2e: {  	[bflag:$0x3] =	sbarrier.arrive $0xFFFF  }
0x2f: {  	_ =	shalt  }

</sc_bundles>
